<compile_context>
chip_gen: v7x
topology: tpu7x:2x2x1
jax: 0.10.2.dev20260603
libtpu: 0.0.44.dev20260713+nightly
codegen_flags: <defaults>
</compile_context>

<pallas_src>
import functools

import jax
import jax.numpy as jnp
from jax import lax
from jax.experimental import pallas as pl
from jax.experimental.pallas import tpu as pltpu
from jax.experimental.pallas import tpu_sc as plsc

B = 16384
CONT_DIM = 256
OUT_DIM = 256
HALF = 128
D1, D2, D3, D4 = 64, 32, 16, 32

NC, NS = 2, 16
NW = NC * NS
BPW = B // NW


def _sc_gather(idx4, E1p, E2, E4, E3):
    mesh = plsc.VectorSubcoreMesh(core_axis_name="c", subcore_axis_name="s")
    f32 = jnp.float32

    @functools.partial(
        pl.kernel,
        out_type=(
            jax.ShapeDtypeStruct((B, 128), f32),
            jax.ShapeDtypeStruct((B, 128), f32),
        ),
        mesh=mesh,
        compiler_params=pltpu.CompilerParams(use_tc_tiling_on_sc=False),
        scratch_types=[
            pltpu.VMEM((4, BPW), jnp.int32),
            pltpu.VMEM((BPW, 128), f32),
            pltpu.VMEM((BPW, D2), f32),
            pltpu.VMEM((BPW, D4), f32),
            pltpu.VMEM((BPW, D3), f32),
            pltpu.SemaphoreType.DMA,
            pltpu.SemaphoreType.DMA,
            pltpu.SemaphoreType.DMA,
            pltpu.SemaphoreType.DMA,
            pltpu.SemaphoreType.DMA,
            pltpu.SemaphoreType.DMA,
        ],
    )
    def k(idx_h, e1_h, e2_h, e4_h, e3_h, o1_h, oc_h,
          idxv, r1, r2, r4, r3, si, s1, s2, s4, s3, sw):
        wid = lax.axis_index("s") * NC + lax.axis_index("c")
        base = wid * BPW
        sl = pl.ds(base, BPW)
        pltpu.async_copy(idx_h.at[:, sl], idxv, si).wait()
        g1 = pltpu.async_copy(e1_h.at[idxv.at[0]], r1, s1)
        g2 = pltpu.async_copy(e2_h.at[idxv.at[1]], r2, s2)
        g4 = pltpu.async_copy(e4_h.at[idxv.at[2]], r4, s4)
        g3 = pltpu.async_copy(e3_h.at[idxv.at[3]], r3, s3)
        g2.wait()
        w2 = pltpu.async_copy(r2, oc_h.at[sl, pl.ds(0, D2)], sw)
        g4.wait()
        w4 = pltpu.async_copy(r4, oc_h.at[sl, pl.ds(D2, D4)], sw)
        g3.wait()
        w3c = pltpu.async_copy(r3, oc_h.at[sl, pl.ds(D2 + D4, D3)], sw)
        g1.wait()
        w1 = pltpu.async_copy(r1, o1_h.at[sl], sw)
        w2.wait()
        w4.wait()
        w3c.wait()
        w1.wait()

    return k(idx4, E1p, E2, E4, E3)


def _tc_body(x_ref, o1_ref, comb_ref, wc_ref, bc_ref,
             w0_ref, w1s_ref, wcat_ref, bf_ref, out_ref):
    f32 = jnp.float32
    i32 = jnp.int32
    bf16 = jnp.bfloat16
    bm = x_ref.shape[0]

    cont = jnp.dot(x_ref[...].astype(bf16), wc_ref[...],
                   preferred_element_type=f32)
    cont = cont + bc_ref[...]
    acc = jnp.dot(cont.astype(bf16), w0_ref[...], preferred_element_type=f32)

    acc = acc + jnp.dot(o1_ref[...].astype(bf16), w1s_ref[...],
                        preferred_element_type=f32)
    lt80 = lax.broadcasted_iota(i32, (bm, 128), 1) < (D2 + D4 + D3)
    combz = jnp.where(lt80, comb_ref[...], 0.0).astype(bf16)
    acc = acc + jnp.dot(combz, wcat_ref[...], preferred_element_type=f32)
    out_ref[...] = acc + bf_ref[...]


def kernel(continuous_inputs, pitcher_id, pitch_type, batter_side,
           game_situation, W_cont, b_cont, E_pitcher_id, E_pitch_type,
           E_batter_side, E_game_situation, W_final, b_final):
    i32 = jnp.int32
    pid = pitcher_id.astype(i32)
    bidx = (batter_side.astype(i32)
            + D3 * (jnp.arange(B, dtype=i32) & 511))
    idx4 = jnp.stack([pid, pitch_type.astype(i32),
                      game_situation.astype(i32), bidx])
    E3r = jnp.tile(E_batter_side, (512, 1))
    eyepad = jnp.eye(D1, 128, dtype=jnp.float32)
    E1p = jnp.dot(E_pitcher_id, eyepad, precision=jax.lax.Precision.HIGHEST)
    o1p, comb = _sc_gather(idx4, E1p, E_pitch_type, E_game_situation, E3r)

    bf16 = jnp.bfloat16
    w0 = W_final[:HALF].astype(bf16)
    w1 = W_final[HALF:HALF + D1]
    w1s = jnp.concatenate(
        [w1, jnp.zeros((128 - D1, OUT_DIM), jnp.float32)], axis=0).astype(bf16)
    wcat = jnp.concatenate(
        [W_final[HALF + D1:HALF + D1 + D2], W_final[HALF + D1 + D2 + D3:],
         W_final[HALF + D1 + D2:HALF + D1 + D2 + D3],
         jnp.zeros((128 - D2 - D4 - D3, OUT_DIM), jnp.float32)],
        axis=0).astype(bf16)
    bc = b_cont.reshape(1, HALF)
    bf = b_final.reshape(1, OUT_DIM)

    BM = 4096
    grid = (B // BM,)
    row = lambda i: (i, 0)
    full = lambda i: (0, 0)
    out = pl.pallas_call(
        _tc_body,
        grid=grid,
        in_specs=[
            pl.BlockSpec((BM, CONT_DIM), row),
            pl.BlockSpec((BM, 128), row),
            pl.BlockSpec((BM, 128), row),
            pl.BlockSpec((CONT_DIM, HALF), full),
            pl.BlockSpec((1, HALF), full),
            pl.BlockSpec((HALF, OUT_DIM), full),
            pl.BlockSpec((128, OUT_DIM), full),
            pl.BlockSpec((128, OUT_DIM), full),
            pl.BlockSpec((1, OUT_DIM), full),
        ],
        out_specs=pl.BlockSpec((BM, OUT_DIM), row),
        out_shape=jax.ShapeDtypeStruct((B, OUT_DIM), jnp.float32),
        compiler_params=pltpu.CompilerParams(
            dimension_semantics=("arbitrary",),
        ),
    )(continuous_inputs, o1p, comb, W_cont.astype(bf16), bc, w0,
      w1s, wcat, bf)
    return out

# --- scband reference (transcript-rebuilt; emitter-appended) ---
"""Pipeline reference for scband-pitch-embedding-22153441312768 (READ-ONLY COPY).

The authoritative reference and input builder live on the scoring server;
editing this copy changes nothing except your own understanding.
"""

import jax, jax.numpy as jnp
import numpy as np

B = 16384
CONT_DIM = 256
OUT_DIM = 256
HALF = OUT_DIM // 2
CAT_INFO = [("pitcher_id", 100000, 64), ("pitch_type", 1000, 32), ("batter_side", 16, 16), ("game_situation", 1000, 32)]
TOTAL_CAT = sum(d for _, _, d in CAT_INFO)


def setup_inputs(seed: int = 0) -> dict:
    key = jax.random.key(seed)
    ks = jax.random.split(key, 16)
    inp = {}
    inp["continuous_inputs"] = jax.random.normal(ks[0], (B, CONT_DIM), dtype=jnp.float32)
    inp["pitcher_id"] = jax.random.randint(ks[1], (B,), 0, 100000)
    inp["pitch_type"] = jax.random.randint(ks[2], (B,), 0, 1000)
    inp["batter_side"] = jax.random.randint(ks[3], (B,), 0, 16)
    inp["game_situation"] = jax.random.randint(ks[4], (B,), 0, 1000)
    # Parameters (Linear weights stored as [in, out] for x @ W + b)
    inp["W_cont"] = jax.random.normal(ks[5], (CONT_DIM, HALF), dtype=jnp.float32) * (1.0 / np.sqrt(CONT_DIM))
    inp["b_cont"] = jnp.zeros((HALF,), dtype=jnp.float32)
    inp["E_pitcher_id"] = jax.random.normal(ks[6], (100000, 64), dtype=jnp.float32)
    inp["E_pitch_type"] = jax.random.normal(ks[7], (1000, 32), dtype=jnp.float32)
    inp["E_batter_side"] = jax.random.normal(ks[8], (16, 16), dtype=jnp.float32)
    inp["E_game_situation"] = jax.random.normal(ks[9], (1000, 32), dtype=jnp.float32)
    inp["W_final"] = jax.random.normal(ks[10], (HALF + TOTAL_CAT, OUT_DIM), dtype=jnp.float32) * (1.0 / np.sqrt(HALF + TOTAL_CAT))
    inp["b_final"] = jnp.zeros((OUT_DIM,), dtype=jnp.float32)
    return inp


def reference(continuous_inputs, pitcher_id, pitch_type, batter_side, game_situation,
              W_cont, b_cont, E_pitcher_id, E_pitch_type, E_batter_side, E_game_situation,
              W_final, b_final):
    cont_embed = continuous_inputs @ W_cont + b_cont
    cat_embeds = [
        jnp.take(E_pitcher_id, pitcher_id, axis=0),
        jnp.take(E_pitch_type, pitch_type, axis=0),
        jnp.take(E_batter_side, batter_side, axis=0),
        jnp.take(E_game_situation, game_situation, axis=0),
    ]
    cat_embed = jnp.concatenate(cat_embeds, axis=-1)
    combined = jnp.concatenate([cont_embed, cat_embed], axis=-1)
    out = combined @ W_final + b_final
    return out

if __name__ == "__main__":
    import jax
    _d = setup_inputs()
    print(jax.jit(kernel)(*tuple(_d.values())))

</pallas_src>

<mosaic_0001>
#map = affine_map<(d0, d1) -> (0, 0)>
module attributes {stable_mosaic.version = 14 : i64} {
  func.func @k(%arg0: i32, %arg1: i32, %arg2: memref<4x16384xi32, #tpu.memory_space<hbm>>, %arg3: memref<100000x128xf32, #tpu.memory_space<hbm>>, %arg4: memref<1000x32xf32, #tpu.memory_space<hbm>>, %arg5: memref<1000x32xf32, #tpu.memory_space<hbm>>, %arg6: memref<8192x16xf32, #tpu.memory_space<hbm>>, %arg7: memref<16384x128xf32, #tpu.memory_space<hbm>>, %arg8: memref<16384x128xf32, #tpu.memory_space<hbm>>, %arg9: memref<4x512xi32, #tpu.memory_space<vmem>>, %arg10: memref<512x128xf32, #tpu.memory_space<vmem>>, %arg11: memref<512x32xf32, #tpu.memory_space<vmem>>, %arg12: memref<512x32xf32, #tpu.memory_space<vmem>>, %arg13: memref<512x16xf32, #tpu.memory_space<vmem>>, %arg14: memref<!tpu.dma_semaphore, #tpu.memory_space<semaphore_mem>>, %arg15: memref<!tpu.dma_semaphore, #tpu.memory_space<semaphore_mem>>, %arg16: memref<!tpu.dma_semaphore, #tpu.memory_space<semaphore_mem>>, %arg17: memref<!tpu.dma_semaphore, #tpu.memory_space<semaphore_mem>>, %arg18: memref<!tpu.dma_semaphore, #tpu.memory_space<semaphore_mem>>, %arg19: memref<!tpu.dma_semaphore, #tpu.memory_space<semaphore_mem>>) attributes {dimension_semantics = [#tpu.dimension_semantics<core_parallel>, #tpu.dimension_semantics<subcore_parallel>], iteration_bounds = array<i64: 2, 16>, scalar_prefetch = 0 : i64, scratch_operands = 11 : i64, tpu.core_type = #tpu.core_type<sc_vector_subcore>, window_params = [{transform_indices = #map}, {transform_indices = #map}, {transform_indices = #map}, {transform_indices = #map}, {transform_indices = #map}, {transform_indices = #map}, {transform_indices = #map}]} {
    %mul3A = arith.constant 2 : i32
    %mul3A_0 = arith.muli %arg1, %mul3A : i32
    %add3A = arith.addi %mul3A_0, %arg0 : i32
    %mul3A_1 = arith.constant 512 : i32
    %mul3A_2 = arith.muli %add3A, %mul3A_1 : i32
    %dma_start3A = arith.constant 0 : i32
    %dma_start3A_3 = tpu.memref_slice %arg2[%dma_start3A, %mul3A_2] : memref<4x16384xi32, #tpu.memory_space<hbm>> -> memref<4x512xi32, #tpu.memory_space<hbm>>
    %dma_start3A_4 = arith.constant 0 : i32
    %dma_start3A_5 = tpu.memref_slice %arg2[%dma_start3A_4, %mul3A_2] : memref<4x16384xi32, #tpu.memory_space<hbm>> -> memref<4x512xi32, #tpu.memory_space<hbm>>
    tpu.enqueue_dma source(%dma_start3A_5 : memref<4x512xi32, #tpu.memory_space<hbm>>) target(%arg9 : memref<4x512xi32, #tpu.memory_space<vmem>>) target_semaphore(%arg14 : memref<!tpu.dma_semaphore, #tpu.memory_space<semaphore_mem>>)
    %dma_wait3A = arith.constant 0 : i32
    %dma_wait3A_6 = tpu.memref_slice %arg2[%dma_wait3A, %mul3A_2] : memref<4x16384xi32, #tpu.memory_space<hbm>> -> memref<4x512xi32, #tpu.memory_space<hbm>>
    %dma_wait3A_7 = arith.constant 0 : i32
    %dma_wait3A_8 = tpu.memref_slice %arg2[%dma_wait3A_7, %mul3A_2] : memref<4x16384xi32, #tpu.memory_space<hbm>> -> memref<4x512xi32, #tpu.memory_space<hbm>>
    tpu.wait_dma2 semaphore(%arg14 : memref<!tpu.dma_semaphore, #tpu.memory_space<semaphore_mem>>) src(%dma_wait3A_8 : memref<4x512xi32, #tpu.memory_space<hbm>>) dst(%arg9 : memref<4x512xi32, #tpu.memory_space<vmem>>)
    %dma_start3A_9 = arith.constant 0 : i32
    %dma_start3A_10 = arith.constant 0 : i32
    %dma_start3A_11 = tpu.memref_slice %arg9[%dma_start3A_9, %dma_start3A_10] : memref<4x512xi32, #tpu.memory_space<vmem>> -> memref<1x512xi32, #tpu.memory_space<vmem>>
    %dma_start3A_12 = tpu.memref_squeeze %dma_start3A_11 : memref<1x512xi32, #tpu.memory_space<vmem>> -> memref<512xi32, #tpu.memory_space<vmem>>
    %dma_start3A_13 = arith.constant 0 : i32
    %dma_start3A_14 = arith.constant 0 : i32
    %dma_start3A_15 = tpu.memref_slice %arg3[%dma_start3A_13, %dma_start3A_14] : memref<100000x128xf32, #tpu.memory_space<hbm>> -> memref<100000x128xf32, #tpu.memory_space<hbm>>
    tpu.enqueue_indirect_dma source(%dma_start3A_15 : memref<100000x128xf32, #tpu.memory_space<hbm>>) target(%arg10 : memref<512x128xf32, #tpu.memory_space<vmem>>) offsets(%dma_start3A_12 : memref<512xi32, #tpu.memory_space<vmem>>) semaphore(%arg15 : memref<!tpu.dma_semaphore, #tpu.memory_space<semaphore_mem>>)
    %dma_start3A_16 = arith.constant 1 : i32
    %dma_start3A_17 = arith.constant 0 : i32
    %dma_start3A_18 = tpu.memref_slice %arg9[%dma_start3A_16, %dma_start3A_17] : memref<4x512xi32, #tpu.memory_space<vmem>> -> memref<1x512xi32, #tpu.memory_space<vmem>>
    %dma_start3A_19 = tpu.memref_squeeze %dma_start3A_18 : memref<1x512xi32, #tpu.memory_space<vmem>> -> memref<512xi32, #tpu.memory_space<vmem>>
    %dma_start3A_20 = arith.constant 0 : i32
    %dma_start3A_21 = arith.constant 0 : i32
    %dma_start3A_22 = tpu.memref_slice %arg4[%dma_start3A_20, %dma_start3A_21] : memref<1000x32xf32, #tpu.memory_space<hbm>> -> memref<1000x32xf32, #tpu.memory_space<hbm>>
    tpu.enqueue_indirect_dma source(%dma_start3A_22 : memref<1000x32xf32, #tpu.memory_space<hbm>>) target(%arg11 : memref<512x32xf32, #tpu.memory_space<vmem>>) offsets(%dma_start3A_19 : memref<512xi32, #tpu.memory_space<vmem>>) semaphore(%arg16 : memref<!tpu.dma_semaphore, #tpu.memory_space<semaphore_mem>>)
    %dma_start3A_23 = arith.constant 2 : i32
    %dma_start3A_24 = arith.constant 0 : i32
    %dma_start3A_25 = tpu.memref_slice %arg9[%dma_start3A_23, %dma_start3A_24] : memref<4x512xi32, #tpu.memory_space<vmem>> -> memref<1x512xi32, #tpu.memory_space<vmem>>
    %dma_start3A_26 = tpu.memref_squeeze %dma_start3A_25 : memref<1x512xi32, #tpu.memory_space<vmem>> -> memref<512xi32, #tpu.memory_space<vmem>>
    %dma_start3A_27 = arith.constant 0 : i32
    %dma_start3A_28 = arith.constant 0 : i32
    %dma_start3A_29 = tpu.memref_slice %arg5[%dma_start3A_27, %dma_start3A_28] : memref<1000x32xf32, #tpu.memory_space<hbm>> -> memref<1000x32xf32, #tpu.memory_space<hbm>>
    tpu.enqueue_indirect_dma source(%dma_start3A_29 : memref<1000x32xf32, #tpu.memory_space<hbm>>) target(%arg12 : memref<512x32xf32, #tpu.memory_space<vmem>>) offsets(%dma_start3A_26 : memref<512xi32, #tpu.memory_space<vmem>>) semaphore(%arg17 : memref<!tpu.dma_semaphore, #tpu.memory_space<semaphore_mem>>)
    %dma_start3A_30 = arith.constant 3 : i32
    %dma_start3A_31 = arith.constant 0 : i32
    %dma_start3A_32 = tpu.memref_slice %arg9[%dma_start3A_30, %dma_start3A_31] : memref<4x512xi32, #tpu.memory_space<vmem>> -> memref<1x512xi32, #tpu.memory_space<vmem>>
    %dma_start3A_33 = tpu.memref_squeeze %dma_start3A_32 : memref<1x512xi32, #tpu.memory_space<vmem>> -> memref<512xi32, #tpu.memory_space<vmem>>
    %dma_start3A_34 = arith.constant 0 : i32
    %dma_start3A_35 = arith.constant 0 : i32
    %dma_start3A_36 = tpu.memref_slice %arg6[%dma_start3A_34, %dma_start3A_35] : memref<8192x16xf32, #tpu.memory_space<hbm>> -> memref<8192x16xf32, #tpu.memory_space<hbm>>
    tpu.enqueue_indirect_dma source(%dma_start3A_36 : memref<8192x16xf32, #tpu.memory_space<hbm>>) target(%arg13 : memref<512x16xf32, #tpu.memory_space<vmem>>) offsets(%dma_start3A_33 : memref<512xi32, #tpu.memory_space<vmem>>) semaphore(%arg18 : memref<!tpu.dma_semaphore, #tpu.memory_space<semaphore_mem>>)
    %dma_wait3A_37 = arith.constant 1 : i32
    %dma_wait3A_38 = arith.constant 0 : i32
    %dma_wait3A_39 = tpu.memref_slice %arg9[%dma_wait3A_37, %dma_wait3A_38] : memref<4x512xi32, #tpu.memory_space<vmem>> -> memref<1x512xi32, #tpu.memory_space<vmem>>
    %dma_wait3A_40 = tpu.memref_squeeze %dma_wait3A_39 : memref<1x512xi32, #tpu.memory_space<vmem>> -> memref<512xi32, #tpu.memory_space<vmem>>
    %dma_wait3A_41 = arith.constant 0 : i32
    %dma_wait3A_42 = arith.constant 0 : i32
    %dma_wait3A_43 = tpu.memref_slice %arg4[%dma_wait3A_41, %dma_wait3A_42] : memref<1000x32xf32, #tpu.memory_space<hbm>> -> memref<1000x32xf32, #tpu.memory_space<hbm>>
    tpu.wait_indirect_dma semaphore(%arg16 : memref<!tpu.dma_semaphore, #tpu.memory_space<semaphore_mem>>) src(%dma_wait3A_43 : memref<1000x32xf32, #tpu.memory_space<hbm>>) dst(%arg11 : memref<512x32xf32, #tpu.memory_space<vmem>>)
    %dma_start3A_44 = arith.constant 0 : i32
    %dma_start3A_45 = tpu.memref_slice %arg8[%mul3A_2, %dma_start3A_44] : memref<16384x128xf32, #tpu.memory_space<hbm>> -> memref<512x32xf32, #tpu.memory_space<hbm>>
    %dma_start3A_46 = arith.constant 0 : i32
    %dma_start3A_47 = tpu.memref_slice %arg8[%mul3A_2, %dma_start3A_46] : memref<16384x128xf32, #tpu.memory_space<hbm>> -> memref<512x32xf32, #tpu.memory_space<hbm>>
    tpu.enqueue_dma source(%arg11 : memref<512x32xf32, #tpu.memory_space<vmem>>) target(%dma_start3A_47 : memref<512x32xf32, #tpu.memory_space<hbm>>) target_semaphore(%arg19 : memref<!tpu.dma_semaphore, #tpu.memory_space<semaphore_mem>>)
    %dma_wait3A_48 = arith.constant 2 : i32
    %dma_wait3A_49 = arith.constant 0 : i32
    %dma_wait3A_50 = tpu.memref_slice %arg9[%dma_wait3A_48, %dma_wait3A_49] : memref<4x512xi32, #tpu.memory_space<vmem>> -> memref<1x512xi32, #tpu.memory_space<vmem>>
    %dma_wait3A_51 = tpu.memref_squeeze %dma_wait3A_50 : memref<1x512xi32, #tpu.memory_space<vmem>> -> memref<512xi32, #tpu.memory_space<vmem>>
    %dma_wait3A_52 = arith.constant 0 : i32
    %dma_wait3A_53 = arith.constant 0 : i32
    %dma_wait3A_54 = tpu.memref_slice %arg5[%dma_wait3A_52, %dma_wait3A_53] : memref<1000x32xf32, #tpu.memory_space<hbm>> -> memref<1000x32xf32, #tpu.memory_space<hbm>>
    tpu.wait_indirect_dma semaphore(%arg17 : memref<!tpu.dma_semaphore, #tpu.memory_space<semaphore_mem>>) src(%dma_wait3A_54 : memref<1000x32xf32, #tpu.memory_space<hbm>>) dst(%arg12 : memref<512x32xf32, #tpu.memory_space<vmem>>)
    %dma_start3A_55 = arith.constant 32 : i32
    %dma_start3A_56 = tpu.memref_slice %arg8[%mul3A_2, %dma_start3A_55] : memref<16384x128xf32, #tpu.memory_space<hbm>> -> memref<512x32xf32, #tpu.memory_space<hbm>>
    %dma_start3A_57 = arith.constant 32 : i32
    %dma_start3A_58 = tpu.memref_slice %arg8[%mul3A_2, %dma_start3A_57] : memref<16384x128xf32, #tpu.memory_space<hbm>> -> memref<512x32xf32, #tpu.memory_space<hbm>>
    tpu.enqueue_dma source(%arg12 : memref<512x32xf32, #tpu.memory_space<vmem>>) target(%dma_start3A_58 : memref<512x32xf32, #tpu.memory_space<hbm>>) target_semaphore(%arg19 : memref<!tpu.dma_semaphore, #tpu.memory_space<semaphore_mem>>)
    %dma_wait3A_59 = arith.constant 3 : i32
    %dma_wait3A_60 = arith.constant 0 : i32
    %dma_wait3A_61 = tpu.memref_slice %arg9[%dma_wait3A_59, %dma_wait3A_60] : memref<4x512xi32, #tpu.memory_space<vmem>> -> memref<1x512xi32, #tpu.memory_space<vmem>>
    %dma_wait3A_62 = tpu.memref_squeeze %dma_wait3A_61 : memref<1x512xi32, #tpu.memory_space<vmem>> -> memref<512xi32, #tpu.memory_space<vmem>>
    %dma_wait3A_63 = arith.constant 0 : i32
    %dma_wait3A_64 = arith.constant 0 : i32
    %dma_wait3A_65 = tpu.memref_slice %arg6[%dma_wait3A_63, %dma_wait3A_64] : memref<8192x16xf32, #tpu.memory_space<hbm>> -> memref<8192x16xf32, #tpu.memory_space<hbm>>
    tpu.wait_indirect_dma semaphore(%arg18 : memref<!tpu.dma_semaphore, #tpu.memory_space<semaphore_mem>>) src(%dma_wait3A_65 : memref<8192x16xf32, #tpu.memory_space<hbm>>) dst(%arg13 : memref<512x16xf32, #tpu.memory_space<vmem>>)
    %dma_start3A_66 = arith.constant 64 : i32
    %dma_start3A_67 = tpu.memref_slice %arg8[%mul3A_2, %dma_start3A_66] : memref<16384x128xf32, #tpu.memory_space<hbm>> -> memref<512x16xf32, #tpu.memory_space<hbm>>
    %dma_start3A_68 = arith.constant 64 : i32
    %dma_start3A_69 = tpu.memref_slice %arg8[%mul3A_2, %dma_start3A_68] : memref<16384x128xf32, #tpu.memory_space<hbm>> -> memref<512x16xf32, #tpu.memory_space<hbm>>
    tpu.enqueue_dma source(%arg13 : memref<512x16xf32, #tpu.memory_space<vmem>>) target(%dma_start3A_69 : memref<512x16xf32, #tpu.memory_space<hbm>>) target_semaphore(%arg19 : memref<!tpu.dma_semaphore, #tpu.memory_space<semaphore_mem>>)
    %dma_wait3A_70 = arith.constant 0 : i32
    %dma_wait3A_71 = arith.constant 0 : i32
    %dma_wait3A_72 = tpu.memref_slice %arg9[%dma_wait3A_70, %dma_wait3A_71] : memref<4x512xi32, #tpu.memory_space<vmem>> -> memref<1x512xi32, #tpu.memory_space<vmem>>
    %dma_wait3A_73 = tpu.memref_squeeze %dma_wait3A_72 : memref<1x512xi32, #tpu.memory_space<vmem>> -> memref<512xi32, #tpu.memory_space<vmem>>
    %dma_wait3A_74 = arith.constant 0 : i32
    %dma_wait3A_75 = arith.constant 0 : i32
    %dma_wait3A_76 = tpu.memref_slice %arg3[%dma_wait3A_74, %dma_wait3A_75] : memref<100000x128xf32, #tpu.memory_space<hbm>> -> memref<100000x128xf32, #tpu.memory_space<hbm>>
    tpu.wait_indirect_dma semaphore(%arg15 : memref<!tpu.dma_semaphore, #tpu.memory_space<semaphore_mem>>) src(%dma_wait3A_76 : memref<100000x128xf32, #tpu.memory_space<hbm>>) dst(%arg10 : memref<512x128xf32, #tpu.memory_space<vmem>>)
    %dma_start3A_77 = arith.constant 0 : i32
    %dma_start3A_78 = tpu.memref_slice %arg7[%mul3A_2, %dma_start3A_77] : memref<16384x128xf32, #tpu.memory_space<hbm>> -> memref<512x128xf32, #tpu.memory_space<hbm>>
    %dma_start3A_79 = arith.constant 0 : i32
    %dma_start3A_80 = tpu.memref_slice %arg7[%mul3A_2, %dma_start3A_79] : memref<16384x128xf32, #tpu.memory_space<hbm>> -> memref<512x128xf32, #tpu.memory_space<hbm>>
    tpu.enqueue_dma source(%arg10 : memref<512x128xf32, #tpu.memory_space<vmem>>) target(%dma_start3A_80 : memref<512x128xf32, #tpu.memory_space<hbm>>) target_semaphore(%arg19 : memref<!tpu.dma_semaphore, #tpu.memory_space<semaphore_mem>>)
    %dma_wait3A_81 = arith.constant 0 : i32
    %dma_wait3A_82 = tpu.memref_slice %arg8[%mul3A_2, %dma_wait3A_81] : memref<16384x128xf32, #tpu.memory_space<hbm>> -> memref<512x32xf32, #tpu.memory_space<hbm>>
    %dma_wait3A_83 = arith.constant 0 : i32
    %dma_wait3A_84 = tpu.memref_slice %arg8[%mul3A_2, %dma_wait3A_83] : memref<16384x128xf32, #tpu.memory_space<hbm>> -> memref<512x32xf32, #tpu.memory_space<hbm>>
    tpu.wait_dma2 semaphore(%arg19 : memref<!tpu.dma_semaphore, #tpu.memory_space<semaphore_mem>>) src(%arg11 : memref<512x32xf32, #tpu.memory_space<vmem>>) dst(%dma_wait3A_84 : memref<512x32xf32, #tpu.memory_space<hbm>>)
    %dma_wait3A_85 = arith.constant 32 : i32
    %dma_wait3A_86 = tpu.memref_slice %arg8[%mul3A_2, %dma_wait3A_85] : memref<16384x128xf32, #tpu.memory_space<hbm>> -> memref<512x32xf32, #tpu.memory_space<hbm>>
    %dma_wait3A_87 = arith.constant 32 : i32
    %dma_wait3A_88 = tpu.memref_slice %arg8[%mul3A_2, %dma_wait3A_87] : memref<16384x128xf32, #tpu.memory_space<hbm>> -> memref<512x32xf32, #tpu.memory_space<hbm>>
    tpu.wait_dma2 semaphore(%arg19 : memref<!tpu.dma_semaphore, #tpu.memory_space<semaphore_mem>>) src(%arg12 : memref<512x32xf32, #tpu.memory_space<vmem>>) dst(%dma_wait3A_88 : memref<512x32xf32, #tpu.memory_space<hbm>>)
    %dma_wait3A_89 = arith.constant 64 : i32
    %dma_wait3A_90 = tpu.memref_slice %arg8[%mul3A_2, %dma_wait3A_89] : memref<16384x128xf32, #tpu.memory_space<hbm>> -> memref<512x16xf32, #tpu.memory_space<hbm>>
    %dma_wait3A_91 = arith.constant 64 : i32
    %dma_wait3A_92 = tpu.memref_slice %arg8[%mul3A_2, %dma_wait3A_91] : memref<16384x128xf32, #tpu.memory_space<hbm>> -> memref<512x16xf32, #tpu.memory_space<hbm>>
    tpu.wait_dma2 semaphore(%arg19 : memref<!tpu.dma_semaphore, #tpu.memory_space<semaphore_mem>>) src(%arg13 : memref<512x16xf32, #tpu.memory_space<vmem>>) dst(%dma_wait3A_92 : memref<512x16xf32, #tpu.memory_space<hbm>>)
    %dma_wait3A_93 = arith.constant 0 : i32
    %dma_wait3A_94 = tpu.memref_slice %arg7[%mul3A_2, %dma_wait3A_93] : memref<16384x128xf32, #tpu.memory_space<hbm>> -> memref<512x128xf32, #tpu.memory_space<hbm>>
    %dma_wait3A_95 = arith.constant 0 : i32
    %dma_wait3A_96 = tpu.memref_slice %arg7[%mul3A_2, %dma_wait3A_95] : memref<16384x128xf32, #tpu.memory_space<hbm>> -> memref<512x128xf32, #tpu.memory_space<hbm>>
    tpu.wait_dma2 semaphore(%arg19 : memref<!tpu.dma_semaphore, #tpu.memory_space<semaphore_mem>>) src(%arg10 : memref<512x128xf32, #tpu.memory_space<vmem>>) dst(%dma_wait3A_96 : memref<512x128xf32, #tpu.memory_space<hbm>>)
    return
  }
}

module attributes {stable_mosaic.version = 14 : i64} {
  func.func @_tc_body(%arg0: i32, %arg1: memref<4096x256xf32, #tpu.memory_space<vmem>>, %arg2: memref<4096x128xf32, #tpu.memory_space<vmem>>, %arg3: memref<4096x128xf32, #tpu.memory_space<vmem>>, %arg4: memref<256x128xbf16, #tpu.memory_space<vmem>>, %arg5: memref<1x128xf32, #tpu.memory_space<vmem>>, %arg6: memref<128x256xbf16, #tpu.memory_space<vmem>>, %arg7: memref<128x256xbf16, #tpu.memory_space<vmem>>, %arg8: memref<128x256xbf16, #tpu.memory_space<vmem>>, %arg9: memref<1x256xf32, #tpu.memory_space<vmem>>, %arg10: memref<4096x256xf32, #tpu.memory_space<vmem>>) attributes {dimension_semantics = [#tpu.dimension_semantics<arbitrary>], iteration_bounds = array<i64: 4>, scalar_prefetch = 0 : i64, scratch_operands = 0 : i64, tpu.core_type = #tpu.core_type<tc>, window_params = [{transform_indices = @transform_0, window_bounds = array<i64: 4096, 256>}, {transform_indices = @transform_1, window_bounds = array<i64: 4096, 128>}, {transform_indices = @transform_2, window_bounds = array<i64: 4096, 128>}, {pipeline_mode = #tpu.pipeline_mode<synchronous>, transform_indices = @transform_3, window_bounds = array<i64: 256, 128>}, {pipeline_mode = #tpu.pipeline_mode<synchronous>, transform_indices = @transform_4, window_bounds = array<i64: 1, 128>}, {pipeline_mode = #tpu.pipeline_mode<synchronous>, transform_indices = @transform_5, window_bounds = array<i64: 128, 256>}, {pipeline_mode = #tpu.pipeline_mode<synchronous>, transform_indices = @transform_6, window_bounds = array<i64: 128, 256>}, {pipeline_mode = #tpu.pipeline_mode<synchronous>, transform_indices = @transform_7, window_bounds = array<i64: 128, 256>}, {pipeline_mode = #tpu.pipeline_mode<synchronous>, transform_indices = @transform_8, window_bounds = array<i64: 1, 256>}, {transform_indices = @transform_9, window_bounds = array<i64: 4096, 256>}]} {
    %get3A = arith.constant 0 : index
    %get3A_0 = arith.constant 0 : index
    %get3A_1 = vector.load %arg1[%get3A, %get3A_0] : memref<4096x256xf32, #tpu.memory_space<vmem>>, vector<4096x256xf32>
    %convert_element_type3A = arith.truncf %get3A_1 : vector<4096x256xf32> to vector<4096x256xbf16>
    %get3A_2 = arith.constant 0 : index
    %get3A_3 = arith.constant 0 : index
    %get3A_4 = vector.load %arg4[%get3A_2, %get3A_3] : memref<256x128xbf16, #tpu.memory_space<vmem>>, vector<256x128xbf16>
    %dot_general3A = arith.constant dense<0.000000e+00> : vector<4096x128xf32>
    %dot_general3A_5 = tpu.matmul %convert_element_type3A, %get3A_4, %dot_general3A {dimension_numbers = #tpu.dot_dimension_numbers<[1], [0], [0], [1], [0, 0, 1, 1], [], []>, transpose_lhs_hint = false} : vector<4096x256xbf16>, vector<256x128xbf16>, vector<4096x128xf32> -> vector<4096x128xf32>
    %get3A_6 = arith.constant 0 : index
    %get3A_7 = arith.constant 0 : index
    %get3A_8 = vector.load %arg5[%get3A_6, %get3A_7] : memref<1x128xf32, #tpu.memory_space<vmem>>, vector<1x128xf32>
    %add3A = vector.broadcast %get3A_8 : vector<1x128xf32> to vector<4096x128xf32>
    %add3A_9 = arith.addf %dot_general3A_5, %add3A : vector<4096x128xf32>
    %convert_element_type3A_10 = arith.truncf %add3A_9 : vector<4096x128xf32> to vector<4096x128xbf16>
    %get3A_11 = arith.constant 0 : index
    %get3A_12 = arith.constant 0 : index
    %get3A_13 = vector.load %arg6[%get3A_11, %get3A_12] : memref<128x256xbf16, #tpu.memory_space<vmem>>, vector<128x256xbf16>
    %dot_general3A_14 = arith.constant dense<0.000000e+00> : vector<4096x256xf32>
    %dot_general3A_15 = tpu.matmul %convert_element_type3A_10, %get3A_13, %dot_general3A_14 {dimension_numbers = #tpu.dot_dimension_numbers<[1], [0], [0], [1], [0, 0, 1, 1], [], []>, transpose_lhs_hint = false} : vector<4096x128xbf16>, vector<128x256xbf16>, vector<4096x256xf32> -> vector<4096x256xf32>
    %get3A_16 = arith.constant 0 : index
    %get3A_17 = arith.constant 0 : index
    %get3A_18 = vector.load %arg2[%get3A_16, %get3A_17] : memref<4096x128xf32, #tpu.memory_space<vmem>>, vector<4096x128xf32>
    %convert_element_type3A_19 = arith.truncf %get3A_18 : vector<4096x128xf32> to vector<4096x128xbf16>
    %get3A_20 = arith.constant 0 : index
    %get3A_21 = arith.constant 0 : index
    %get3A_22 = vector.load %arg7[%get3A_20, %get3A_21] : memref<128x256xbf16, #tpu.memory_space<vmem>>, vector<128x256xbf16>
    %dot_general3A_23 = arith.constant dense<0.000000e+00> : vector<4096x256xf32>
    %dot_general3A_24 = tpu.matmul %convert_element_type3A_19, %get3A_22, %dot_general3A_23 {dimension_numbers = #tpu.dot_dimension_numbers<[1], [0], [0], [1], [0, 0, 1, 1], [], []>, transpose_lhs_hint = false} : vector<4096x128xbf16>, vector<128x256xbf16>, vector<4096x256xf32> -> vector<4096x256xf32>
    %add3A_25 = arith.addf %dot_general3A_15, %dot_general3A_24 : vector<4096x256xf32>
    %iota3A = tpu.iota {dimensions = array<i32: 1>} : vector<4096x128xi32>
    %lt3A = arith.constant 80 : i32
    %lt3A_26 = vector.broadcast %lt3A : i32 to vector<4096x128xi32>
    %lt3A_27 = arith.cmpi slt, %iota3A, %lt3A_26 : vector<4096x128xi32>
    %get3A_28 = arith.constant 0 : index
    %get3A_29 = arith.constant 0 : index
    %get3A_30 = vector.load %arg3[%get3A_28, %get3A_29] : memref<4096x128xf32, #tpu.memory_space<vmem>>, vector<4096x128xf32>
    %jit3A = arith.constant 0.000000e+00 : f32
    %broadcast_in_dim3A = vector.broadcast %jit3A : f32 to vector<4096x128xf32>
    %select_n3A = arith.select %lt3A_27, %get3A_30, %broadcast_in_dim3A : vector<4096x128xi1>, vector<4096x128xf32>
    %convert_element_type3A_31 = arith.truncf %select_n3A : vector<4096x128xf32> to vector<4096x128xbf16>
    %get3A_32 = arith.constant 0 : index
    %get3A_33 = arith.constant 0 : index
    %get3A_34 = vector.load %arg8[%get3A_32, %get3A_33] : memref<128x256xbf16, #tpu.memory_space<vmem>>, vector<128x256xbf16>
    %dot_general3A_35 = arith.constant dense<0.000000e+00> : vector<4096x256xf32>
    %dot_general3A_36 = tpu.matmul %convert_element_type3A_31, %get3A_34, %dot_general3A_35 {dimension_numbers = #tpu.dot_dimension_numbers<[1], [0], [0], [1], [0, 0, 1, 1], [], []>, transpose_lhs_hint = false} : vector<4096x128xbf16>, vector<128x256xbf16>, vector<4096x256xf32> -> vector<4096x256xf32>
    %add3A_37 = arith.addf %add3A_25, %dot_general3A_36 : vector<4096x256xf32>
    %get3A_38 = arith.constant 0 : index
    %get3A_39 = arith.constant 0 : index
    %get3A_40 = vector.load %arg9[%get3A_38, %get3A_39] : memref<1x256xf32, #tpu.memory_space<vmem>>, vector<1x256xf32>
    %add3A_41 = vector.broadcast %get3A_40 : vector<1x256xf32> to vector<4096x256xf32>
    %add3A_42 = arith.addf %add3A_37, %add3A_41 : vector<4096x256xf32>
    %swap3A = arith.constant 0 : index
    %swap3A_43 = arith.constant 0 : index
    %swap3A_44 = vector.load %arg10[%swap3A, %swap3A_43] : memref<4096x256xf32, #tpu.memory_space<vmem>>, vector<4096x256xf32>
    tpu.vector_store %arg10[%swap3A, %swap3A_43], %add3A_42 {strides = array<i32>} : memref<4096x256xf32, #tpu.memory_space<vmem>>, vector<4096x256xf32>,
    return
  }
  func.func @transform_0(%arg0: i32) -> (i32, i32) {
    %c0_i32 = arith.constant 0 : i32
    %c0_i32_0 = arith.constant 0 : i32
    return %arg0, %c0_i32 : i32, i32
  }
  func.func @transform_1(%arg0: i32) -> (i32, i32) {
    %c0_i32 = arith.constant 0 : i32
    %c0_i32_0 = arith.constant 0 : i32
    return %arg0, %c0_i32 : i32, i32
  }
  func.func @transform_2(%arg0: i32) -> (i32, i32) {
    %c0_i32 = arith.constant 0 : i32
    %c0_i32_0 = arith.constant 0 : i32
    return %arg0, %c0_i32 : i32, i32
  }
  func.func @transform_3(%arg0: i32) -> (i32, i32) {
    %c0_i32 = arith.constant 0 : i32
    %c0_i32_0 = arith.constant 0 : i32
    %c0_i32_1 = arith.constant 0 : i32
    return %c0_i32, %c0_i32_0 : i32, i32
  }
  func.func @transform_4(%arg0: i32) -> (i32, i32) {
    %c0_i32 = arith.constant 0 : i32
    %c0_i32_0 = arith.constant 0 : i32
    %c0_i32_1 = arith.constant 0 : i32
    return %c0_i32, %c0_i32_0 : i32, i32
  }
  func.func @transform_5(%arg0: i32) -> (i32, i32) {
    %c0_i32 = arith.constant 0 : i32
    %c0_i32_0 = arith.constant 0 : i32
    %c0_i32_1 = arith.constant 0 : i32
    return %c0_i32, %c0_i32_0 : i32, i32
  }
  func.func @transform_6(%arg0: i32) -> (i32, i32) {
    %c0_i32 = arith.constant 0 : i32
    %c0_i32_0 = arith.constant 0 : i32
    %c0_i32_1 = arith.constant 0 : i32
    return %c0_i32, %c0_i32_0 : i32, i32
  }
  func.func @transform_7(%arg0: i32) -> (i32, i32) {
    %c0_i32 = arith.constant 0 : i32
    %c0_i32_0 = arith.constant 0 : i32
    %c0_i32_1 = arith.constant 0 : i32
    return %c0_i32, %c0_i32_0 : i32, i32
  }
  func.func @transform_8(%arg0: i32) -> (i32, i32) {
    %c0_i32 = arith.constant 0 : i32
    %c0_i32_0 = arith.constant 0 : i32
    %c0_i32_1 = arith.constant 0 : i32
    return %c0_i32, %c0_i32_0 : i32, i32
  }
  func.func @transform_9(%arg0: i32) -> (i32, i32) {
    %c0_i32 = arith.constant 0 : i32
    %c0_i32_0 = arith.constant 0 : i32
    return %arg0, %c0_i32 : i32, i32
  }
}

</mosaic_0001>

<sc_bundles>
// kernel: kernel.4.cloned.1.call-start
scs
__scs_entry_jumppad:
0x0: {  	(pc) =	sbr.rel $0x88, $3  }
0x1: {  	(tag) =	ssettag $0x0;
	lr =	simm.s32 $0x1  }
0x2: {  	[smem:$0x3F94] =	sst lr;
	_ =	strace $0xD0000000  }
0x3: {  	_ = 	snop  }
0x4: {  	_ = 	snop  }
0x5: {  	_ = 	snop  }
0x6: {  	_ = 	snop  }
0x7: {  	_ = 	snop  }
__scs_overlays_trampoline_lowered:
0x8: {  	[smem:$0x3FA3] =	sst s0  }
0x9: {  	[smem:$0x3FA4] =	sst s1  }
0xa: {  	[smem:$0x3FA5] =	sst s2  }
0xb: {  	[smem:$0x3FA6] =	sst s3  }
0xc: {  	[smem:$0x3FA7] =	sst s4  }
0xd: {  	[smem:$0x3FA8] =	sst s5  }
0xe: {  	[smem:$0x3FA9] =	sst s6  }
0xf: {  	[smem:$0x3FAA] =	sst s7  }
0x10: {  	[smem:$0x3FAB] =	sst s8  }
0x11: {  	[smem:$0x3FAC] =	sst s9;
	s0 =	simm.s32 @!p0 $0x0  }
0x12: {  	s1 =	sld [smem:$0x3F92];
	s0 =	simm.s32 @p0 $0x1  }
0x13: {  	[smem:$0x3FAD] =	sst s0;
	s0 =	simm.s32 @!p1 $0x0  }
0x14: {  	s2 =	sld [smem:$0x3F91];
	s0 =	simm.s32 @p1 $0x1  }
0x15: {  	[smem:$0x3FAE] =	sst s0;
	s0 =	simm.s32 @!p2 $0x0  }
0x16: {  	s3 =	sld [smem:$0x3FDB];
	s0 =	simm.s32 @p2 $0x1  }
0x17: {  	s4 =	simm.s32 $0x1BF5;
	[smem:$0x3FB0] =	sst s0  }
0x18: {  	s0 =	sld [smem:$0x3F93];
	_ =	swait.ge [sflag:s4], $0x0  }
0x19: {  	s7 =	sld [smem:$0x3F94]  }
0x1a: {  	s8 =	sadd.s32 $0xFFFFE003, lr  }
0x1b: {  	s9 =	sadd.s32 $0xFFFFFEF7, lr;
	s5 =	simm.s32 $0xFFFFFFFF;
	p2 =	slt.u32 s8, $0xFFFFF086  }
0x1c: {  	p1 =	slt.u32 s9, $0xF7A;
	s5 =	simm.s32 @!p2 $0x0  }
0x1d: {  	s5 =	simm.s32 @p1 $0x1;
	p0 =	seq.s32 s7, s2  }
0x1e: {  	s7 =	smul.u32 @!p0 $0xF7A, s2;
	p2 =	seq.s32 @!p0 s5, $0x0  }
0x1f: {  	s9 =	smul.u32 $0xF7A, s1;
	s8 =	simm.s32 @!p0 $0x1BF5;
	p2 =	por !p2, p0  }
0x20: {  	[sflag:s8] =	ssyncset.s32 @!p0 $0xFFFFF086;
	s6 =	sadd.s32 @!p0 s3, s7;
	s7 =	simm.s32 @!p0 $0x108  }
0x21: {  	s3 =	sadd.s32 s3, s9;
	s6 =	sadd.s32 @!p0 $0x88, s6;
	s7 =	simm.s32 @p2 $0x1082  }
0x22: {  	[simem:s7], [sflag:s8] =	dma.local @!p0 [hbm:s6], $0xF7A  }
0x23: {  	s9 =	sor.u32 $0xD0000000, s2;
	s6 =	simm.s32 $0x108;
	_ =	swait.ge @!p0 [sflag:s8], $0x0  }
0x24: {  	s3 =	sadd.s32 $0x88, s3;
	s6 =	simm.s32 @!p1 $0x1082;
	[sflag:s4] =	ssyncset.s32 $0xFFFFF086  }
0x25: {  	[simem:s6], [sflag:s4] =	dma.local [hbm:s3], $0xF7A  }
0x26: {  	[smem:$0x3F94] =	sst s1;
	(tag) =	ssettag s2;
	_ =	strace s9  }
0x27: {  	s1 =	sld [smem:$0x3FA4]  }
0x28: {  	s2 =	sld [smem:$0x3FA5]  }
0x29: {  	s4 =	sld [smem:$0x3FA7]  }
0x2a: {  	p0 =	seq.s32 s5, $0x0;
	s5 =	sld [smem:$0x3FA8]  }
0x2b: {  	s6 =	sld [smem:$0x3FA9]  }
0x2c: {  	s7 =	sld [smem:$0x3FAA]  }
0x2d: {  	s3 =	simm.s32 $0x108;
	s8 =	sld [smem:$0x3FAB]  }
0x2e: {  	s3 =	simm.s32 @!p0 $0x1082;
	s9 =	sld [smem:$0x3FAC]  }
0x2f: {  	lr =	sadd.s32 s0, s3;
	s0 =	sld [smem:$0x3FA3]  }
0x30: {  	s3 =	sld [smem:$0x3FA6]  }
0x31: {  	[smem:$0x3FAF] =	sst s10  }
0x32: {  	s10 =	sld [smem:$0x3FAD];
	_ =	sdelay $0x3  }
0x33: {  	p0 =	seq.s32 s10, $0x1;
	s10 =	sld [smem:$0x3FAF];
	_ =	sdelay $0x3  }
0x34: {  	[smem:$0x3FAF] =	sst s10  }
0x35: {  	s10 =	sld [smem:$0x3FAE];
	_ =	sdelay $0x3  }
0x36: {  	p1 =	seq.s32 s10, $0x1;
	s10 =	sld [smem:$0x3FAF];
	_ =	sdelay $0x3  }
0x37: {  	[smem:$0x3FAF] =	sst s10  }
0x38: {  	s10 =	sld [smem:$0x3FB0]  }
0x39: {  	_ = 	snop;
	(pc) =	sbr.ind lr, $3  }
0x3a: {  	_ = 	snop  }
0x3b: {  	_ = 	snop  }
0x3c: {  	p2 =	seq.s32 s10, $0x1;
	s10 =	sld [smem:$0x3FAF]  }
0x3d: {  	_ =	shalt  }
0x3e: {  	_ =	shalt  }
0x3f: {  	_ =	shalt  }
0x40: {  	_ =	shalt  }
0x41: {  	_ =	shalt  }
0x42: {  	_ =	shalt  }
0x43: {  	_ =	shalt  }
0x44: {  	_ =	shalt  }
0x45: {  	_ =	shalt  }
0x46: {  	_ =	shalt  }
0x47: {  	_ =	shalt  }
0x48: {  	_ =	shalt  }
0x49: {  	_ =	shalt  }
0x4a: {  	_ =	shalt  }
0x4b: {  	_ =	shalt  }
0x4c: {  	_ =	shalt  }
0x4d: {  	_ =	shalt  }
0x4e: {  	_ =	shalt  }
0x4f: {  	_ =	shalt  }
0x50: {  	_ =	shalt  }
0x51: {  	_ =	shalt  }
0x52: {  	_ =	shalt  }
0x53: {  	_ =	shalt  }
0x54: {  	_ =	shalt  }
0x55: {  	_ =	shalt  }
0x56: {  	_ =	shalt  }
0x57: {  	_ =	shalt  }
0x58: {  	_ =	shalt  }
0x59: {  	_ =	shalt  }
0x5a: {  	_ =	shalt  }
0x5b: {  	_ =	shalt  }
0x5c: {  	_ =	shalt  }
0x5d: {  	_ =	shalt  }
0x5e: {  	_ =	shalt  }
0x5f: {  	_ =	shalt  }
0x60: {  	_ =	shalt  }
0x61: {  	_ =	shalt  }
0x62: {  	_ =	shalt  }
0x63: {  	_ =	shalt  }
0x64: {  	_ =	shalt  }
0x65: {  	_ =	shalt  }
0x66: {  	_ =	shalt  }
0x67: {  	_ =	shalt  }
0x68: {  	_ =	shalt  }
0x69: {  	_ =	shalt  }
0x6a: {  	_ =	shalt  }
0x6b: {  	_ =	shalt  }
0x6c: {  	_ =	shalt  }
0x6d: {  	_ =	shalt  }
0x6e: {  	_ =	shalt  }
0x6f: {  	_ =	shalt  }
0x70: {  	_ =	shalt  }
0x71: {  	_ =	shalt  }
0x72: {  	_ =	shalt  }
0x73: {  	_ =	shalt  }
0x74: {  	_ =	shalt  }
0x75: {  	_ =	shalt  }
0x76: {  	_ =	shalt  }
0x77: {  	_ =	shalt  }
0x78: {  	_ =	shalt  }
0x79: {  	_ =	shalt  }
0x7a: {  	_ =	shalt  }
0x7b: {  	_ =	shalt  }
0x7c: {  	_ =	shalt  }
0x7d: {  	_ =	shalt  }
0x7e: {  	_ =	shalt  }
0x7f: {  	_ =	shalt  }
0x80: {  	_ =	shalt  }
0x81: {  	_ =	shalt  }
0x82: {  	_ =	shalt  }
0x83: {  	_ =	shalt  }
0x84: {  	_ =	shalt  }
0x85: {  	_ =	shalt  }
0x86: {  	_ =	shalt  }
0x87: {  	_ =	shalt  }
.Lfunc_end0:
.L_simem_size_0:
called_computation_lowered:
.L_overlay_start_0:
0x88: {  	s2 =	sld [smem:$0x3FD9]  }
0x89: {  	s3 =	sld [smem:$0x3FFE];
	_ =	sdelay $0x1  }
0x8a: {  	s1 =	srdreg.scid  }
0x8b: {  	s0 =	sand.u32 $0x1, s1  }
0x8c: {  	s17 =	sshll.u32 s0, $0xA;
	s2 =	sadd.s32 s3, s2  }
0x8d: {  	s2 =	sadd.s32 s2, s17  }
0x8e: {  	[smem:$0x3FBB] =	sst s2  }
0x8f: {  	_ = 	snop  }
0x90: {  	s2 =	sld [smem:$0x3FD0];
	(tm) =	ssettm $0x1  }
0x91: {  	s18 =	sld [smem:$0x3FFB];
	_ =	sdelay $0x3  }
0x92: {  	_ =	strace s18  }
0x93: {  	s3 =	sld [smem:$0x3FFC];
	_ =	sdelay $0x3  }
0x94: {  	_ =	strace s3  }
0x95: {  	s3 =	sld [smem:$0x3FFD];
	_ =	sdelay $0x3  }
0x96: {  	_ =	strace s3  }
0x97: {  	_ =	strace $0x8FFFFFFF  }
0x98: {  	s19 =	sld [smem:$0x3FDB];
	_ =	sdelay $0x1  }
0x99: {  	s4 =	simm.s32 $_scs_section_size  }
0x9a: {  	s5 =	simm.s32 $_size__tile_overlayer_lowered;
	s6 =	simm.s32 $_tile_overlayer_lowered  }
0x9b: {  	s22 =	simm.s32 $0x1BFF;
	s21 =	sshll.u32 s6, $0x1;
	s3 =	sadd.s32 s4, s19  }
0x9c: {  	s7 =	simm.s32 $0x0;
	s20 =	sshll.u32 s5, $0x1;
	s5 =	sadd.s32 s21, s3  }
0x9d: {  	[timem:s7], [sflag:s22] =	dma.local [hbm:s5], s20  }
0x9e: {  	_ =	swait.ge [sflag:s22], s20  }
0x9f: {  	s4 =	ssub.s32 $0x0, s20;
	[sflag:s22] =	ssyncset.done $0x0  }
0xa0: {  	[sflag:s22] =	ssyncadd.s32 s4;
	_ =	sdelay $0x1  }
0xa1: {  	s23 =	simm.s32 $0x1B8B  }
0xa2: {  	_ =	swait.ge [sflag:s23], $0x1  }
0xa3: {  	[sflag:s23] =	ssyncset.done $0x0  }
0xa4: {  	s25 =	simm.s32 $0x1B8E;
	s24 =	sld [smem:$0x3FFE];
	[sflag:s23] =	ssyncadd.s32 $0xFFFFFFFF  }
0xa5: {  	s26 =	simm.s32 $execute0_lowered;
	[smem:$0x3FD2] =	sst s25  }
0xa6: {  	s5 =	sshll.u32 s26, $0x1;
	_ =	strace $0x80000046;
	[dreg:$0x1] =	wrdreg $0xFFFFFFFF  }
0xa7: {  	s28 =	simm.s32 $_size_execute0_lowered;
	s3 =	sadd.s32 s3, s5;
	[dreg:$0x0] =	wrdreg $0x0  }
0xa8: {  	s5 =	sshll.u32 s28, $0x1;
	[dreg:$0x2] =	wrdreg s3  }
0xa9: {  	[dreg:$0x3] =	wrdreg s5  }
0xaa: {  	[dreg:$0x4] =	wrdreg $0xC0  }
0xab: {  	_ =	task [dreg:s7], $0x5FFFF  }
0xac: {  	[dreg:$0x1] =	wrdreg $0xFFFFFFFF  }
0xad: {  	[dreg:$0x0] =	wrdreg $0x60  }
0xae: {  	[dreg:$0x2] =	wrdreg s24  }
0xaf: {  	[dreg:$0x3] =	wrdreg s2  }
0xb0: {  	[dreg:$0x4] =	wrdreg $0x9  }
0xb1: {  	_ =	task.clear_ibuf [dreg:s7], $0x5FFFF;
	_ =	strace $0x90000046  }
0xb2: {  	s29 =	simm.s32 $0x9;
	_ =	strace $0x80000048  }
0xb3: {  	_ =	swait.ge [sflag:s29], $0x1  }
0xb4: {  	[sflag:s29] =	ssyncadd.s32 $0xFFFFFFFF  }
0xb5: {  	_ =	strace $0x90000048  }
0xb6: {  	_ =	sfence  }
0xb7: {  	s30 =	sld [smem:$0x0];
	_ =	sdelay $0x2  }
0xb8: {  	s31 =	sshll.u32 s1, $0xD;
	s1 =	sshrl.u32 s1, $0x2  }
0xb9: {  	s3 =	sand.u32 $0x4000, s31;
	s1 =	sadd.s32 s1, s30  }
0xba: {  	s0 =	sor.u32 s3, s0;
	s1 =	sshll.u32 s1, $0x11  }
0xbb: {  	s0 =	sor.u32 s1, s0  }
0xbc: {  	s0 =	sadd.s32 $0x8F2B, s0  }
0xbd: {  	[sflag:s0] =	ssyncadd.remote.s32 $0x1  }
0xbe: {  	_ =	sfence.sel $0xFFFF  }
0xbf: {  	[dreg:$0x0] =	wrdreg $0xFFFFFFFF;
	(pc) =	sbr.abs _section_cstart, $3  }
0xc0: {  	[dreg:$0x1] =	wrdreg $0xFFFFFFFF  }
0xc1: {  	_ =	task.clear_ibuf [dreg:s7], $0x2FFFF;
	_ =	strace $0x9FFFFFFF  }
0xc2: {  	(tm) =	ssettm $0x7FFFFFFF  }
0xc3: {  	_ =	shalt  }
tec
execute0_lowered:
.L_overlay_start_1:
0x0: {  	(tag) =	ssettag $0x1  }
0x1: {  	s1 =	srdreg.scid  }
0x2: {  	s0 =	stileid.u32;
	s30 =	sand.u32 $0x1, s1  }
0x3: {  	s18 =	rddreg [dreg:$0x0];
	s31 =	sshll.u32 s0, $0xA;
	s2 =	sshll.u32 s30, $0x9  }
0x4: {  	s28 =	rddreg [dreg:$0x1];
	s4 =	simm.s32 $0x200;
	s13 =	sor.u32 s2, s31  }
0x5: {  	s5 =	simm.s32 $0x4000;
	s2 =	simm.s32 $0x0;
	s3 =	sshrl.u32 s13, $0x3  }
0x6: {  	s6 =	simm.s32 $0x1;
	[smem:$0x7FF] =	sst s2;
	s3 =	sadd.s32 s3, s18  }
0x7: {  	s1 =	rddreg [dreg:$0x2];
	_ =	strace $0x80000047;
	s3 =	sadd.s32 $0x1C00, s3  }
0x8: {  	[tilespmem:s2], [sflag:$0x1] =	stream.strided.gather [hbm4b:s3+s4], $0x800, s5, s4, $0x38;
	[tilespmem:$0x1A800] =	vst v63  }
0x9: {  	_ =	swait.ge [sflag:s6], $0x800  }
0xa: {  	s10 =	simm.s32 $0x800;
	[sflag:s6] =	ssyncset.done $0x0  }
0xb: {  	s12 =	simm.s32 $0x10800;
	s7 =	sadd.s32 $0x3C00, s18;
	[sflag:s6] =	ssyncadd.s32 $0xFFFFF800  }
0xc: {  	[tilespmem:s10], [sflag:$0x2] =	stream.indirect.gather [hbm4b:s7+s4], $0x80, s2, s4, $0xb8;
	[tilespmem:$0x1A800] =	vst v63  }
0xd: {  	s14 =	simm.s32 $0x14800;
	s15 =	simm.s32 $0x600;
	s8 =	sadd.s32 $0x18A600, s18  }
0xe: {  	[tilespmem:s12], [sflag:$0x3] =	stream.indirect.gather [hbm4b:s8+s4], $0x20, s4, s4, $0xb8;
	[tilespmem:$0x1A800] =	vst v63  }
0xf: {  	s9 =	sadd.s32 $0x18B600, s18;
	s29 =	sshll.u32 s13, $0x4;
	s13 =	simm.s32 $0x400  }
0x10: {  	[tilespmem:s14], [sflag:$0x4] =	stream.indirect.gather [hbm4b:s9+s4], $0x20, s13, s4, $0xb8;
	[tilespmem:$0x1A800] =	vst v63  }
0x11: {  	s16 =	simm.s32 $0x18800;
	s17 =	simm.s32 $0x3;
	s11 =	sadd.s32 $0x18C600, s18  }
0x12: {  	[tilespmem:s16], [sflag:$0x5] =	stream.indirect.gather [hbm4b:s11+s4], $0x10, s15, s4, $0xb8;
	[tilespmem:$0x1A800] =	vst v63  }
0x13: {  	s19 =	simm.s32 $0x20;
	_ =	swait.ge [sflag:s17], $0x4000  }
0x14: {  	s20 =	simm.s32 $0x80;
	s24 =	sadd.s32 s29, s18;
	[sflag:s17] =	ssyncset.done $0x0  }
0x15: {  	s21 =	simm.s32 $0x4;
	s18 =	sadd.s32 $0x190600, s24;
	[sflag:s17] =	ssyncadd.s32 $0xFFFFC000  }
0x16: {  	[hbm4b:s18+s19] =	stream.strided.scatter [tilespmem:s12], [sflag:$0x6], $0x4000, s20, s19, $0x38;
	[tilespmem:$0x1A800] =	vst v63  }
0x17: {  	_ =	swait.ge [sflag:s21], $0x4000  }
0x18: {  	[sflag:s21] =	ssyncset.done $0x0  }
0x19: {  	s23 =	simm.s32 $0x5;
	s22 =	sadd.s32 $0x190604, s24;
	[sflag:s21] =	ssyncadd.s32 $0xFFFFC000  }
0x1a: {  	[hbm4b:s22+s19] =	stream.strided.scatter [tilespmem:s14], [sflag:$0x6], $0x4000, s20, s19, $0x38;
	[tilespmem:$0x1A800] =	vst v63  }
0x1b: {  	_ =	swait.ge [sflag:s23], $0x2000  }
0x1c: {  	s25 =	simm.s32 $0x10;
	[sflag:s23] =	ssyncset.done $0x0  }
0x1d: {  	s26 =	simm.s32 $0x2;
	s24 =	sadd.s32 $0x190608, s24;
	[sflag:s23] =	ssyncadd.s32 $0xFFFFE000  }
0x1e: {  	[hbm4b:s24+s25] =	stream.strided.scatter [tilespmem:s16], [sflag:$0x6], $0x2000, s20, s25, $0x38;
	[tilespmem:$0x1A800] =	vst v63  }
0x1f: {  	_ =	swait.ge [sflag:s26], $0x10000  }
0x20: {  	[sflag:s26] =	ssyncset.done $0x0  }
0x21: {  	s28 =	sadd.s32 s28, s29;
	s29 =	simm.s32 $0x6;
	[sflag:s26] =	ssyncadd.s32 $0xFFFF0000  }
0x22: {  	[hbm4b:s28+s2] =	stream.linear.scatter [tilespmem:s10], [sflag:$0x6], $0x10000, $0x38;
	[tilespmem:$0x1A800] =	vst v63  }
0x23: {  	_ =	swait.ge [sflag:s29], $0x4000  }
0x24: {  	s30 =	ssub.s32 $0x2, s30;
	[sflag:s29] =	ssyncset.done $0x0  }
0x25: {  	s31 =	sshrl.u32 s30, $0x1;
	[sflag:s29] =	ssyncadd.s32 $0xFFFFC000  }
0x26: {  	s30 =	ssub.s32 s30, s31;
	_ =	swait.ge [sflag:s29], $0x4000  }
0x27: {  	s30 =	smax.u32 s30, $0x1;
	[sflag:s29] =	ssyncset.done $0x0  }
0x28: {  	p0 =	sne.s32 s30, $0x1;
	[sflag:s29] =	ssyncadd.s32 $0xFFFFC000  }
.Ltmp0:
0x29: {  	_ =	swait.ge [sflag:s29], $0x2000;
	(pc) =	sbr.rel @!p0 .LBB2_2-.Ltmp0, $4  }
0x2a: {  	[sflag:s29] =	ssyncset.done $0x0  }
0x2b: {  	[sflag:s29] =	ssyncadd.s32 $0xFFFFE000  }
0x2c: {  	_ =	swait.ge [sflag:s29], $0x10000  }
0x2d: {  	s30 =	sadd.s32 $0xFFFFFFFF, s30;
	[sflag:s29] =	ssyncset.done $0x0  }
.LBB2_1:
0x2e: {  	p0 =	sne.s32 s30, $0x1;
	s30 =	sadd.s32 $0xFFFFFFFF, s30;
	[sflag:s29] =	ssyncadd.s32 $0xFFFF0000  }
0x2f: {  	[tilespmem:s2], [sflag:$0x1] =	stream.strided.gather [hbm4b:s3+s4], $0x800, s5, s4, $0x38;
	[tilespmem:$0x1A800] =	vst v63  }
0x30: {  	_ =	swait.ge [sflag:s6], $0x800  }
0x31: {  	[sflag:s6] =	ssyncset.done $0x0  }
0x32: {  	[sflag:s6] =	ssyncadd.s32 $0xFFFFF800  }
0x33: {  	[tilespmem:s10], [sflag:$0x2] =	stream.indirect.gather [hbm4b:s7+s4], $0x80, s2, s4, $0xb8;
	[tilespmem:$0x1A800] =	vst v63  }
0x34: {  	_ = 	snop  }
0x35: {  	[tilespmem:s12], [sflag:$0x3] =	stream.indirect.gather [hbm4b:s8+s4], $0x20, s4, s4, $0xb8;
	[tilespmem:$0x1A800] =	vst v63  }
0x36: {  	_ = 	snop  }
0x37: {  	[tilespmem:s14], [sflag:$0x4] =	stream.indirect.gather [hbm4b:s9+s4], $0x20, s13, s4, $0xb8;
	[tilespmem:$0x1A800] =	vst v63  }
0x38: {  	_ = 	snop  }
0x39: {  	[tilespmem:s16], [sflag:$0x5] =	stream.indirect.gather [hbm4b:s11+s4], $0x10, s15, s4, $0xb8;
	[tilespmem:$0x1A800] =	vst v63  }
0x3a: {  	_ =	swait.ge [sflag:s17], $0x4000  }
0x3b: {  	[sflag:s17] =	ssyncset.done $0x0  }
0x3c: {  	[sflag:s17] =	ssyncadd.s32 $0xFFFFC000  }
0x3d: {  	[hbm4b:s18+s19] =	stream.strided.scatter [tilespmem:s12], [sflag:$0x6], $0x4000, s20, s19, $0x38;
	[tilespmem:$0x1A800] =	vst v63  }
0x3e: {  	_ =	swait.ge [sflag:s21], $0x4000  }
0x3f: {  	[sflag:s21] =	ssyncset.done $0x0  }
0x40: {  	[sflag:s21] =	ssyncadd.s32 $0xFFFFC000  }
0x41: {  	[hbm4b:s22+s19] =	stream.strided.scatter [tilespmem:s14], [sflag:$0x6], $0x4000, s20, s19, $0x38;
	[tilespmem:$0x1A800] =	vst v63  }
0x42: {  	_ =	swait.ge [sflag:s23], $0x2000  }
0x43: {  	[sflag:s23] =	ssyncset.done $0x0  }
0x44: {  	[sflag:s23] =	ssyncadd.s32 $0xFFFFE000  }
0x45: {  	[hbm4b:s24+s25] =	stream.strided.scatter [tilespmem:s16], [sflag:$0x6], $0x2000, s20, s25, $0x38;
	[tilespmem:$0x1A800] =	vst v63  }
0x46: {  	_ =	swait.ge [sflag:s26], $0x10000  }
0x47: {  	[sflag:s26] =	ssyncset.done $0x0  }
0x48: {  	[sflag:s26] =	ssyncadd.s32 $0xFFFF0000  }
0x49: {  	[hbm4b:s28+s2] =	stream.linear.scatter [tilespmem:s10], [sflag:$0x6], $0x10000, $0x38;
	[tilespmem:$0x1A800] =	vst v63  }
0x4a: {  	_ =	swait.ge [sflag:s29], $0x4000  }
0x4b: {  	[sflag:s29] =	ssyncset.done $0x0  }
0x4c: {  	[sflag:s29] =	ssyncadd.s32 $0xFFFFC000  }
0x4d: {  	_ =	swait.ge [sflag:s29], $0x4000  }
0x4e: {  	[sflag:s29] =	ssyncset.done $0x0  }
0x4f: {  	[sflag:s29] =	ssyncadd.s32 $0xFFFFC000  }
.Ltmp1:
0x50: {  	_ =	swait.ge [sflag:s29], $0x2000;
	(pc) =	sbr.rel @p0 .LBB2_1-.Ltmp1, $4  }
0x51: {  	[sflag:s29] =	ssyncset.done $0x0  }
0x52: {  	[sflag:s29] =	ssyncadd.s32 $0xFFFFE000  }
0x53: {  	_ =	swait.ge [sflag:s29], $0x10000  }
0x54: {  	[sflag:s29] =	ssyncset.done $0x0  }
.LBB2_2:
0x55: {  	[sflag:s29] =	ssyncadd.s32 $0xFFFF0000  }
0x56: {  	_ =	sfence.sel $0x180000  }
0x57: {  	[bflag:$0x0] =	sbarrier.arrive $0xFFFF  }
0x58: {  	p0 =	sne.s32 s0, $0x0;
	_ =	strace $0x90000047  }
0x59: {  	s0 =	sadd.s32 @!p0 $0x100000, s1;
	[bflag:$0x2] =	sbarrier.arrive $0xFFFF  }
0x5a: {  	[sflag:s0] =	ssyncadd.tile.s32 @!p0 $0x1;
	_ =	shalt  }
.Lfunc_end2:
_tile_overlayer_lowered:
.L_overlay_start_2:
0x5b: {  	(tag) =	ssettag $0x2  }
0x5c: {  	s0 =	rddreg [dreg:$0x0];
	s2 =	stileid.u32  }
0x5d: {  	s1 =	rddreg [dreg:$0x1];
	p0 =	sne.s32 s2, $0x0  }
0x5e: {  	s3 =	rddreg [dreg:$0x2];
	[bflag:$0x3] =	sbarrier.arrive $0xFFFF;
	s2 =	simm.s32 @!p0 $0x1C07  }
0x5f: {  	[timem:s3], [sflag:s2] =	dma.local @!p0 [hbm:s0], s1  }
0x60: {  	s0 =	simm.s32 @!p0 $0x7  }
0x61: {  	_ =	swait.ge @!p0 [sflag:s0], s1  }
0x62: {  	s1 =	ssub.s32 @!p0 $0x0, s1;
	[sflag:s0] =	ssyncset.done @!p0 $0x0  }
0x63: {  	[sflag:s0] =	ssyncadd.s32 @!p0 s1  }
0x64: {  	[bflag:$0x3] =	sbarrier.arrive $0xFFFF  }
0x65: {  	_ =	shalt  }

</sc_bundles>
